<compile_context>
chip_gen: v7x
topology: tpu7x:2x2x1
jax: 0.10.2.dev20260603
libtpu: 0.0.44.dev20260713+nightly
codegen_flags: <defaults>
</compile_context>

<pallas_src>
import functools

import jax
import jax.numpy as jnp
from jax import lax
from jax.experimental import pallas as pl
from jax.experimental.pallas import tpu as pltpu
from jax.experimental.pallas import tpu_sc as plsc

NW = 32
CHUNK = 128
EMB = 32
NCH = 128
RB = 512


def _gather_body(x_hbm, table_hbm, out_hbm, idx_v, rows0, rows1, sem0, sem1):
    nchunks = x_hbm.shape[1]
    wid = lax.axis_index("c") * 16 + lax.axis_index("s")
    pltpu.sync_copy(x_hbm.at[wid], idx_v)
    rows = (rows0, rows1)
    sems = (sem0, sem1)
    pltpu.async_copy(table_hbm.at[idx_v.at[0]], rows0, sem0)

    def body(i, carry):
        for b in range(2):
            j = i * 2 + b

            @pl.when(j + 1 < nchunks)
            def _():
                pltpu.async_copy(
                    table_hbm.at[idx_v.at[j + 1]], rows[1 - b], sems[1 - b]
                )

            pltpu.make_async_copy(
                table_hbm.at[pl.ds(0, CHUNK)], rows[b], sems[b]
            ).wait()
            pltpu.sync_copy(rows[b], out_hbm.at[wid, j])
        return carry

    lax.fori_loop(0, nchunks // 2, body, 0)


CBR = 4096


def _pad_body(tt_ref, eye_ref, out_ref):
    t = tt_ref[...]
    eye = eye_ref[...]
    for k in range(4):
        out_ref[:, k * EMB : (k + 1) * EMB] = jax.lax.dot_general(
            t[:, k * CBR : (k + 1) * CBR],
            eye,
            (((0,), (0,)), ((), ())),
            preferred_element_type=jnp.float32,
        )


def _mm_body(emb_ref, wt_ref, b_ref, out_ref):
    e = emb_ref[...]
    w = wt_ref[...]
    bias = b_ref[...]
    for k in range(4):
        out_ref[pl.ds(k * RB, RB), :] = (
            jnp.dot(
                e[:, k * EMB : (k + 1) * EMB],
                w,
                preferred_element_type=jnp.float32,
            )
            + bias
        )


def kernel(x, table, W_out, b_out):
    B, F = x.shape
    total = B * F
    per_w = total // NW
    nchunks = per_w // CHUNK

    B4 = 4 * CBR
    xi = x.astype(jnp.int32)
    xp = 4 * ((xi // B4) * CBR + (xi % B4) % CBR) + (xi % B4) // CBR

    ngroups = total // (4 * RB)
    x_r = (
        xp.T.reshape(ngroups, 4, RB)
        .swapaxes(1, 2)
        .reshape(NW, nchunks, CHUNK)
    )

    gather = pl.kernel(
        _gather_body,
        out_type=jax.ShapeDtypeStruct((NW, nchunks, CHUNK, EMB), jnp.float32),
        mesh=plsc.VectorSubcoreMesh(core_axis_name="c", subcore_axis_name="s"),
        scratch_types=[
            pltpu.VMEM((nchunks, CHUNK), jnp.int32),
            pltpu.VMEM((CHUNK, EMB), jnp.float32),
            pltpu.VMEM((CHUNK, EMB), jnp.float32),
            pltpu.SemaphoreType.DMA,
            pltpu.SemaphoreType.DMA,
        ],
        compiler_params=pltpu.CompilerParams(use_tc_tiling_on_sc=False),
    )
    V = table.shape[0]
    tpad = pl.pallas_call(
        _pad_body,
        grid=(pl.cdiv(V, B4),),
        in_specs=[
            pl.BlockSpec((EMB, B4), lambda i: (0, i)),
            pl.BlockSpec((EMB, EMB), lambda i: (0, 0)),
        ],
        out_specs=pl.BlockSpec((CBR, 128), lambda i: (i, 0)),
        out_shape=jax.ShapeDtypeStruct((V // 4, 128), jnp.float32),
    )(table.T, jnp.eye(EMB, dtype=jnp.float32))
    table_lin = tpad.reshape(V, EMB)
    emb128 = gather(x_r, table_lin).reshape(total * EMB // 128, 128)

    out = pl.pallas_call(
        _mm_body,
        grid=(total * EMB // 128 // RB,),
        in_specs=[
            pl.BlockSpec((RB, 128), lambda i: (i, 0)),
            pl.BlockSpec((EMB, NCH), lambda i: (0, 0)),
            pl.BlockSpec((1, NCH), lambda i: (0, 0)),
        ],
        out_specs=pl.BlockSpec((4 * RB, NCH), lambda i: (i, 0)),
        out_shape=jax.ShapeDtypeStruct((total, NCH), jnp.float32),
    )(emb128, W_out.T, b_out.reshape(1, NCH))

    return out.reshape(F, B, NCH).transpose(1, 0, 2)

# --- scband reference (transcript-rebuilt; emitter-appended) ---
"""Pipeline reference for scband-low-dimensional-embedding-32633161515745 (READ-ONLY COPY).

The authoritative reference and input builder live on the scoring server;
editing this copy changes nothing except your own understanding.
"""

import jax, jax.numpy as jnp
import numpy as np

N_TOKENS = 1000000
EMB_SIZE = 32
N_CHANNELS = 128
BATCH = 16384
N_FIELDS = 26


def setup_inputs(seed: int = 0) -> dict:
    key = jax.random.key(seed)
    k_idx, k_tab, k_w, k_b = jax.random.split(key, 4)
    x = jax.random.randint(k_idx, (BATCH, N_FIELDS), 0, N_TOKENS, dtype=jnp.int64 if jax.config.jax_enable_x64 else jnp.int32)
    table = jax.random.normal(k_tab, (N_TOKENS, EMB_SIZE), dtype=jnp.float32)
    # Linear(embedding_size -> n_channels): weight [out, in], bias [out]
    W_out = jax.random.normal(k_w, (N_CHANNELS, EMB_SIZE), dtype=jnp.float32) * (1.0 / np.sqrt(EMB_SIZE))
    b_out = jax.random.normal(k_b, (N_CHANNELS,), dtype=jnp.float32) * 0.01
    return {"x": x, "table": table, "W_out": W_out, "b_out": b_out}


def reference(x, table, W_out, b_out):
    # embedding lookup (gather)
    emb = jnp.take(table, x, axis=0)  # [B, F, EMB_SIZE]
    # out_map: Linear(embedding_size, n_channels)
    out = jnp.einsum('bfe,ce->bfc', emb, W_out) + b_out  # [B, F, N_CHANNELS]
    return out

if __name__ == "__main__":
    import jax
    _d = setup_inputs()
    print(jax.jit(kernel)(*tuple(_d.values())))

</pallas_src>

<mosaic_0001>
#map = affine_map<(d0, d1) -> (0, 0, 0)>
#map1 = affine_map<(d0, d1) -> (0, 0)>
#map2 = affine_map<(d0, d1) -> (0, 0, 0, 0)>
module attributes {stable_mosaic.version = 14 : i64} {
  func.func @_gather_body(%arg0: i32, %arg1: i32, %arg2: memref<32x104x128xi32, #tpu.memory_space<hbm>>, %arg3: memref<1000000x32xf32, #tpu.memory_space<hbm>>, %arg4: memref<32x104x128x32xf32, #tpu.memory_space<hbm>>, %arg5: memref<104x128xi32, #tpu.memory_space<vmem>>, %arg6: memref<128x32xf32, #tpu.memory_space<vmem>>, %arg7: memref<128x32xf32, #tpu.memory_space<vmem>>, %arg8: memref<!tpu.dma_semaphore, #tpu.memory_space<semaphore_mem>>, %arg9: memref<!tpu.dma_semaphore, #tpu.memory_space<semaphore_mem>>) attributes {dimension_semantics = [#tpu.dimension_semantics<core_parallel>, #tpu.dimension_semantics<subcore_parallel>], iteration_bounds = array<i64: 2, 16>, scalar_prefetch = 0 : i64, scratch_operands = 5 : i64, tpu.core_type = #tpu.core_type<sc_vector_subcore>, window_params = [{transform_indices = #map}, {transform_indices = #map1}, {transform_indices = #map2}]} {
    %mul3A = arith.constant 16 : i32
    %mul3A_0 = arith.muli %arg0, %mul3A : i32
    %add3A = arith.addi %mul3A_0, %arg1 : i32
    "tpu.region"() ({
      %run_scoped3A = tpu.sem_alloc : memref<!tpu.dma_semaphore, #tpu.memory_space<semaphore_mem>>
      %dma_start3A_12 = arith.constant 0 : i32
      %dma_start3A_13 = arith.constant 0 : i32
      %dma_start3A_14 = tpu.memref_slice %arg2[%add3A, %dma_start3A_12, %dma_start3A_13] : memref<32x104x128xi32, #tpu.memory_space<hbm>> -> memref<1x104x128xi32, #tpu.memory_space<hbm>>
      %dma_start3A_15 = tpu.memref_squeeze %dma_start3A_14 : memref<1x104x128xi32, #tpu.memory_space<hbm>> -> memref<104x128xi32, #tpu.memory_space<hbm>>
      %dma_start3A_16 = arith.constant 0 : i32
      %dma_start3A_17 = arith.constant 0 : i32
      %dma_start3A_18 = tpu.memref_slice %arg2[%add3A, %dma_start3A_16, %dma_start3A_17] : memref<32x104x128xi32, #tpu.memory_space<hbm>> -> memref<1x104x128xi32, #tpu.memory_space<hbm>>
      %dma_start3A_19 = tpu.memref_squeeze %dma_start3A_18 : memref<1x104x128xi32, #tpu.memory_space<hbm>> -> memref<104x128xi32, #tpu.memory_space<hbm>>
      tpu.enqueue_dma source(%dma_start3A_19 : memref<104x128xi32, #tpu.memory_space<hbm>>) target(%arg5 : memref<104x128xi32, #tpu.memory_space<vmem>>) target_semaphore(%run_scoped3A : memref<!tpu.dma_semaphore, #tpu.memory_space<semaphore_mem>>)
      %dma_wait3A = arith.constant 0 : i32
      %dma_wait3A_20 = arith.constant 0 : i32
      %dma_wait3A_21 = tpu.memref_slice %arg2[%add3A, %dma_wait3A, %dma_wait3A_20] : memref<32x104x128xi32, #tpu.memory_space<hbm>> -> memref<1x104x128xi32, #tpu.memory_space<hbm>>
      %dma_wait3A_22 = tpu.memref_squeeze %dma_wait3A_21 : memref<1x104x128xi32, #tpu.memory_space<hbm>> -> memref<104x128xi32, #tpu.memory_space<hbm>>
      %dma_wait3A_23 = arith.constant 0 : i32
      %dma_wait3A_24 = arith.constant 0 : i32
      %dma_wait3A_25 = tpu.memref_slice %arg2[%add3A, %dma_wait3A_23, %dma_wait3A_24] : memref<32x104x128xi32, #tpu.memory_space<hbm>> -> memref<1x104x128xi32, #tpu.memory_space<hbm>>
      %dma_wait3A_26 = tpu.memref_squeeze %dma_wait3A_25 : memref<1x104x128xi32, #tpu.memory_space<hbm>> -> memref<104x128xi32, #tpu.memory_space<hbm>>
      tpu.wait_dma2 semaphore(%run_scoped3A : memref<!tpu.dma_semaphore, #tpu.memory_space<semaphore_mem>>) src(%dma_wait3A_26 : memref<104x128xi32, #tpu.memory_space<hbm>>) dst(%arg5 : memref<104x128xi32, #tpu.memory_space<vmem>>)
      tpu.yield
    }) : () -> ()
    %dma_start3A = arith.constant 0 : i32
    %dma_start3A_1 = arith.constant 0 : i32
    %dma_start3A_2 = tpu.memref_slice %arg5[%dma_start3A, %dma_start3A_1] : memref<104x128xi32, #tpu.memory_space<vmem>> -> memref<1x128xi32, #tpu.memory_space<vmem>>
    %dma_start3A_3 = tpu.memref_squeeze %dma_start3A_2 : memref<1x128xi32, #tpu.memory_space<vmem>> -> memref<128xi32, #tpu.memory_space<vmem>>
    %dma_start3A_4 = arith.constant 0 : i32
    %dma_start3A_5 = arith.constant 0 : i32
    %dma_start3A_6 = tpu.memref_slice %arg3[%dma_start3A_4, %dma_start3A_5] : memref<1000000x32xf32, #tpu.memory_space<hbm>> -> memref<1000000x32xf32, #tpu.memory_space<hbm>>
    tpu.enqueue_indirect_dma source(%dma_start3A_6 : memref<1000000x32xf32, #tpu.memory_space<hbm>>) target(%arg6 : memref<128x32xf32, #tpu.memory_space<vmem>>) offsets(%dma_start3A_3 : memref<128xi32, #tpu.memory_space<vmem>>) semaphore(%arg8 : memref<!tpu.dma_semaphore, #tpu.memory_space<semaphore_mem>>)
    %scan3A = arith.constant 0 : i32
    %scan3A_7 = arith.constant 0 : i32
    %scan3A_8 = arith.constant 52 : i32
    %scan3A_9 = arith.addi %scan3A_7, %scan3A_8 : i32
    %scan3A_10 = arith.constant 1 : i32
    scf.for %scan3A_12 = %scan3A_7 to %scan3A_9 step %scan3A_10  : i32 {
      %mul3A_13 = arith.constant 2 : i32
      %mul3A_14 = arith.muli %scan3A_12, %mul3A_13 : i32
      %add3A_15 = arith.constant 0 : i32
      %add3A_16 = arith.addi %mul3A_14, %add3A_15 : i32
      %add3A_17 = arith.constant 1 : i32
      %add3A_18 = arith.addi %add3A_16, %add3A_17 : i32
      %lt3A = arith.constant 104 : i32
      %lt3A_19 = arith.cmpi slt, %add3A_18, %lt3A : i32
      %convert_element_type3A = arith.extui %lt3A_19 : i1 to i32
      %cond3A = arith.constant 0 : i32
      %cond3A_20 = arith.cmpi ne, %convert_element_type3A, %cond3A : i32
      scf.if %cond3A_20 {
        %add3A_43 = arith.constant 1 : i32
        %add3A_44 = arith.addi %add3A_16, %add3A_43 : i32
        %dma_start3A_45 = arith.constant 0 : i32
        %dma_start3A_46 = tpu.memref_slice %arg5[%add3A_44, %dma_start3A_45] : memref<104x128xi32, #tpu.memory_space<vmem>> -> memref<1x128xi32, #tpu.memory_space<vmem>>
        %dma_start3A_47 = tpu.memref_squeeze %dma_start3A_46 : memref<1x128xi32, #tpu.memory_space<vmem>> -> memref<128xi32, #tpu.memory_space<vmem>>
        %dma_start3A_48 = arith.constant 0 : i32
        %dma_start3A_49 = arith.constant 0 : i32
        %dma_start3A_50 = tpu.memref_slice %arg3[%dma_start3A_48, %dma_start3A_49] : memref<1000000x32xf32, #tpu.memory_space<hbm>> -> memref<1000000x32xf32, #tpu.memory_space<hbm>>
        tpu.enqueue_indirect_dma source(%dma_start3A_50 : memref<1000000x32xf32, #tpu.memory_space<hbm>>) target(%arg7 : memref<128x32xf32, #tpu.memory_space<vmem>>) offsets(%dma_start3A_47 : memref<128xi32, #tpu.memory_space<vmem>>) semaphore(%arg9 : memref<!tpu.dma_semaphore, #tpu.memory_space<semaphore_mem>>)
      } else {
      }
      %dma_wait3A = arith.constant 0 : i32
      %dma_wait3A_21 = arith.constant 0 : i32
      %dma_wait3A_22 = tpu.memref_slice %arg3[%dma_wait3A, %dma_wait3A_21] : memref<1000000x32xf32, #tpu.memory_space<hbm>> -> memref<128x32xf32, #tpu.memory_space<hbm>>
      %dma_wait3A_23 = arith.constant 0 : i32
      %dma_wait3A_24 = arith.constant 0 : i32
      %dma_wait3A_25 = tpu.memref_slice %arg3[%dma_wait3A_23, %dma_wait3A_24] : memref<1000000x32xf32, #tpu.memory_space<hbm>> -> memref<128x32xf32, #tpu.memory_space<hbm>>
      tpu.wait_dma2 semaphore(%arg8 : memref<!tpu.dma_semaphore, #tpu.memory_space<semaphore_mem>>) src(%dma_wait3A_25 : memref<128x32xf32, #tpu.memory_space<hbm>>) dst(%arg6 : memref<128x32xf32, #tpu.memory_space<vmem>>)
      "tpu.region"() ({
        %run_scoped3A = tpu.sem_alloc : memref<!tpu.dma_semaphore, #tpu.memory_space<semaphore_mem>>
        %dma_start3A_43 = arith.constant 0 : i32
        %dma_start3A_44 = arith.constant 0 : i32
        %dma_start3A_45 = tpu.memref_slice %arg4[%add3A, %add3A_16, %dma_start3A_43, %dma_start3A_44] : memref<32x104x128x32xf32, #tpu.memory_space<hbm>> -> memref<1x1x128x32xf32, #tpu.memory_space<hbm>>
        %dma_start3A_46 = tpu.memref_squeeze %dma_start3A_45 : memref<1x1x128x32xf32, #tpu.memory_space<hbm>> -> memref<128x32xf32, #tpu.memory_space<hbm>>
        %dma_start3A_47 = arith.constant 0 : i32
        %dma_start3A_48 = arith.constant 0 : i32
        %dma_start3A_49 = tpu.memref_slice %arg4[%add3A, %add3A_16, %dma_start3A_47, %dma_start3A_48] : memref<32x104x128x32xf32, #tpu.memory_space<hbm>> -> memref<1x1x128x32xf32, #tpu.memory_space<hbm>>
        %dma_start3A_50 = tpu.memref_squeeze %dma_start3A_49 : memref<1x1x128x32xf32, #tpu.memory_space<hbm>> -> memref<128x32xf32, #tpu.memory_space<hbm>>
        tpu.enqueue_dma source(%arg6 : memref<128x32xf32, #tpu.memory_space<vmem>>) target(%dma_start3A_50 : memref<128x32xf32, #tpu.memory_space<hbm>>) target_semaphore(%run_scoped3A : memref<!tpu.dma_semaphore, #tpu.memory_space<semaphore_mem>>)
        %dma_wait3A_51 = arith.constant 0 : i32
        %dma_wait3A_52 = arith.constant 0 : i32
        %dma_wait3A_53 = tpu.memref_slice %arg4[%add3A, %add3A_16, %dma_wait3A_51, %dma_wait3A_52] : memref<32x104x128x32xf32, #tpu.memory_space<hbm>> -> memref<1x1x128x32xf32, #tpu.memory_space<hbm>>
        %dma_wait3A_54 = tpu.memref_squeeze %dma_wait3A_53 : memref<1x1x128x32xf32, #tpu.memory_space<hbm>> -> memref<128x32xf32, #tpu.memory_space<hbm>>
        %dma_wait3A_55 = arith.constant 0 : i32
        %dma_wait3A_56 = arith.constant 0 : i32
        %dma_wait3A_57 = tpu.memref_slice %arg4[%add3A, %add3A_16, %dma_wait3A_55, %dma_wait3A_56] : memref<32x104x128x32xf32, #tpu.memory_space<hbm>> -> memref<1x1x128x32xf32, #tpu.memory_space<hbm>>
        %dma_wait3A_58 = tpu.memref_squeeze %dma_wait3A_57 : memref<1x1x128x32xf32, #tpu.memory_space<hbm>> -> memref<128x32xf32, #tpu.memory_space<hbm>>
        tpu.wait_dma2 semaphore(%run_scoped3A : memref<!tpu.dma_semaphore, #tpu.memory_space<semaphore_mem>>) src(%arg6 : memref<128x32xf32, #tpu.memory_space<vmem>>) dst(%dma_wait3A_58 : memref<128x32xf32, #tpu.memory_space<hbm>>)
        tpu.yield
      }) : () -> ()
      %mul3A_26 = arith.constant 2 : i32
      %mul3A_27 = arith.muli %scan3A_12, %mul3A_26 : i32
      %add3A_28 = arith.constant 1 : i32
      %add3A_29 = arith.addi %mul3A_27, %add3A_28 : i32
      %add3A_30 = arith.constant 1 : i32
      %add3A_31 = arith.addi %add3A_29, %add3A_30 : i32
      %lt3A_32 = arith.constant 104 : i32
      %lt3A_33 = arith.cmpi slt, %add3A_31, %lt3A_32 : i32
      %convert_element_type3A_34 = arith.extui %lt3A_33 : i1 to i32
      %cond3A_35 = arith.constant 0 : i32
      %cond3A_36 = arith.cmpi ne, %convert_element_type3A_34, %cond3A_35 : i32
      scf.if %cond3A_36 {
        %add3A_43 = arith.constant 1 : i32
        %add3A_44 = arith.addi %add3A_29, %add3A_43 : i32
        %dma_start3A_45 = arith.constant 0 : i32
        %dma_start3A_46 = tpu.memref_slice %arg5[%add3A_44, %dma_start3A_45] : memref<104x128xi32, #tpu.memory_space<vmem>> -> memref<1x128xi32, #tpu.memory_space<vmem>>
        %dma_start3A_47 = tpu.memref_squeeze %dma_start3A_46 : memref<1x128xi32, #tpu.memory_space<vmem>> -> memref<128xi32, #tpu.memory_space<vmem>>
        %dma_start3A_48 = arith.constant 0 : i32
        %dma_start3A_49 = arith.constant 0 : i32
        %dma_start3A_50 = tpu.memref_slice %arg3[%dma_start3A_48, %dma_start3A_49] : memref<1000000x32xf32, #tpu.memory_space<hbm>> -> memref<1000000x32xf32, #tpu.memory_space<hbm>>
        tpu.enqueue_indirect_dma source(%dma_start3A_50 : memref<1000000x32xf32, #tpu.memory_space<hbm>>) target(%arg6 : memref<128x32xf32, #tpu.memory_space<vmem>>) offsets(%dma_start3A_47 : memref<128xi32, #tpu.memory_space<vmem>>) semaphore(%arg8 : memref<!tpu.dma_semaphore, #tpu.memory_space<semaphore_mem>>)
      } else {
      }
      %dma_wait3A_37 = arith.constant 0 : i32
      %dma_wait3A_38 = arith.constant 0 : i32
      %dma_wait3A_39 = tpu.memref_slice %arg3[%dma_wait3A_37, %dma_wait3A_38] : memref<1000000x32xf32, #tpu.memory_space<hbm>> -> memref<128x32xf32, #tpu.memory_space<hbm>>
      %dma_wait3A_40 = arith.constant 0 : i32
      %dma_wait3A_41 = arith.constant 0 : i32
      %dma_wait3A_42 = tpu.memref_slice %arg3[%dma_wait3A_40, %dma_wait3A_41] : memref<1000000x32xf32, #tpu.memory_space<hbm>> -> memref<128x32xf32, #tpu.memory_space<hbm>>
      tpu.wait_dma2 semaphore(%arg9 : memref<!tpu.dma_semaphore, #tpu.memory_space<semaphore_mem>>) src(%dma_wait3A_42 : memref<128x32xf32, #tpu.memory_space<hbm>>) dst(%arg7 : memref<128x32xf32, #tpu.memory_space<vmem>>)
      "tpu.region"() ({
        %run_scoped3A = tpu.sem_alloc : memref<!tpu.dma_semaphore, #tpu.memory_space<semaphore_mem>>
        %dma_start3A_43 = arith.constant 0 : i32
        %dma_start3A_44 = arith.constant 0 : i32
        %dma_start3A_45 = tpu.memref_slice %arg4[%add3A, %add3A_29, %dma_start3A_43, %dma_start3A_44] : memref<32x104x128x32xf32, #tpu.memory_space<hbm>> -> memref<1x1x128x32xf32, #tpu.memory_space<hbm>>
        %dma_start3A_46 = tpu.memref_squeeze %dma_start3A_45 : memref<1x1x128x32xf32, #tpu.memory_space<hbm>> -> memref<128x32xf32, #tpu.memory_space<hbm>>
        %dma_start3A_47 = arith.constant 0 : i32
        %dma_start3A_48 = arith.constant 0 : i32
        %dma_start3A_49 = tpu.memref_slice %arg4[%add3A, %add3A_29, %dma_start3A_47, %dma_start3A_48] : memref<32x104x128x32xf32, #tpu.memory_space<hbm>> -> memref<1x1x128x32xf32, #tpu.memory_space<hbm>>
        %dma_start3A_50 = tpu.memref_squeeze %dma_start3A_49 : memref<1x1x128x32xf32, #tpu.memory_space<hbm>> -> memref<128x32xf32, #tpu.memory_space<hbm>>
        tpu.enqueue_dma source(%arg7 : memref<128x32xf32, #tpu.memory_space<vmem>>) target(%dma_start3A_50 : memref<128x32xf32, #tpu.memory_space<hbm>>) target_semaphore(%run_scoped3A : memref<!tpu.dma_semaphore, #tpu.memory_space<semaphore_mem>>)
        %dma_wait3A_51 = arith.constant 0 : i32
        %dma_wait3A_52 = arith.constant 0 : i32
        %dma_wait3A_53 = tpu.memref_slice %arg4[%add3A, %add3A_29, %dma_wait3A_51, %dma_wait3A_52] : memref<32x104x128x32xf32, #tpu.memory_space<hbm>> -> memref<1x1x128x32xf32, #tpu.memory_space<hbm>>
        %dma_wait3A_54 = tpu.memref_squeeze %dma_wait3A_53 : memref<1x1x128x32xf32, #tpu.memory_space<hbm>> -> memref<128x32xf32, #tpu.memory_space<hbm>>
        %dma_wait3A_55 = arith.constant 0 : i32
        %dma_wait3A_56 = arith.constant 0 : i32
        %dma_wait3A_57 = tpu.memref_slice %arg4[%add3A, %add3A_29, %dma_wait3A_55, %dma_wait3A_56] : memref<32x104x128x32xf32, #tpu.memory_space<hbm>> -> memref<1x1x128x32xf32, #tpu.memory_space<hbm>>
        %dma_wait3A_58 = tpu.memref_squeeze %dma_wait3A_57 : memref<1x1x128x32xf32, #tpu.memory_space<hbm>> -> memref<128x32xf32, #tpu.memory_space<hbm>>
        tpu.wait_dma2 semaphore(%run_scoped3A : memref<!tpu.dma_semaphore, #tpu.memory_space<semaphore_mem>>) src(%arg7 : memref<128x32xf32, #tpu.memory_space<vmem>>) dst(%dma_wait3A_58 : memref<128x32xf32, #tpu.memory_space<hbm>>)
        tpu.yield
      }) : () -> ()
    }
    %scan3A_11 = arith.constant 52 : i32
    return
  }
}

module attributes {stable_mosaic.version = 14 : i64} {
  func.func @_pad_body(%arg0: i32, %arg1: memref<32x16384xf32, #tpu.memory_space<vmem>>, %arg2: memref<32x32xf32, #tpu.memory_space<vmem>>, %arg3: memref<4096x128xf32, #tpu.memory_space<vmem>>) attributes {dimension_semantics = [#tpu.dimension_semantics<arbitrary>], iteration_bounds = array<i64: 62>, scalar_prefetch = 0 : i64, scratch_operands = 0 : i64, tpu.core_type = #tpu.core_type<tc>, window_params = [{transform_indices = @transform_0, window_bounds = array<i64: 32, 16384>}, {pipeline_mode = #tpu.pipeline_mode<synchronous>, transform_indices = @transform_1, window_bounds = array<i64: 32, 32>}, {transform_indices = @transform_2, window_bounds = array<i64: 4096, 128>}]} {
    %get3A = arith.constant 0 : index
    %get3A_0 = arith.constant 0 : index
    %get3A_1 = vector.load %arg1[%get3A, %get3A_0] : memref<32x16384xf32, #tpu.memory_space<vmem>>, vector<32x16384xf32>
    %get3A_2 = arith.constant 0 : index
    %get3A_3 = arith.constant 0 : index
    %get3A_4 = vector.load %arg2[%get3A_2, %get3A_3] : memref<32x32xf32, #tpu.memory_space<vmem>>, vector<32x32xf32>
    %slice3A = vector.extract_strided_slice %get3A_1 {offsets = [0, 0], sizes = [32, 4096], strides = [1, 1]} : vector<32x16384xf32> to vector<32x4096xf32>
    %dot_general3A = arith.constant dense<0.000000e+00> : vector<4096x32xf32>
    %dot_general3A_5 = tpu.matmul %slice3A, %get3A_4, %dot_general3A {dimension_numbers = #tpu.dot_dimension_numbers<[0], [0], [1], [1], [0, 1, 1, 1], [], []>, transpose_lhs_hint = false} : vector<32x4096xf32>, vector<32x32xf32>, vector<4096x32xf32> -> vector<4096x32xf32>
    %swap3A = arith.constant 0 : index
    %swap3A_6 = arith.constant 0 : index
    %swap3A_7 = vector.load %arg3[%swap3A, %swap3A_6] : memref<4096x128xf32, #tpu.memory_space<vmem>>, vector<4096x32xf32>
    tpu.vector_store %arg3[%swap3A, %swap3A_6], %dot_general3A_5 {strides = array<i32>} : memref<4096x128xf32, #tpu.memory_space<vmem>>, vector<4096x32xf32>,
    %slice3A_8 = vector.extract_strided_slice %get3A_1 {offsets = [0, 4096], sizes = [32, 4096], strides = [1, 1]} : vector<32x16384xf32> to vector<32x4096xf32>
    %dot_general3A_9 = arith.constant dense<0.000000e+00> : vector<4096x32xf32>
    %dot_general3A_10 = tpu.matmul %slice3A_8, %get3A_4, %dot_general3A_9 {dimension_numbers = #tpu.dot_dimension_numbers<[0], [0], [1], [1], [0, 1, 1, 1], [], []>, transpose_lhs_hint = false} : vector<32x4096xf32>, vector<32x32xf32>, vector<4096x32xf32> -> vector<4096x32xf32>
    %swap3A_11 = arith.constant 0 : index
    %swap3A_12 = arith.constant 32 : index
    %swap3A_13 = vector.load %arg3[%swap3A_11, %swap3A_12] : memref<4096x128xf32, #tpu.memory_space<vmem>>, vector<4096x32xf32>
    tpu.vector_store %arg3[%swap3A_11, %swap3A_12], %dot_general3A_10 {strides = array<i32>} : memref<4096x128xf32, #tpu.memory_space<vmem>>, vector<4096x32xf32>,
    %slice3A_14 = vector.extract_strided_slice %get3A_1 {offsets = [0, 8192], sizes = [32, 4096], strides = [1, 1]} : vector<32x16384xf32> to vector<32x4096xf32>
    %dot_general3A_15 = arith.constant dense<0.000000e+00> : vector<4096x32xf32>
    %dot_general3A_16 = tpu.matmul %slice3A_14, %get3A_4, %dot_general3A_15 {dimension_numbers = #tpu.dot_dimension_numbers<[0], [0], [1], [1], [0, 1, 1, 1], [], []>, transpose_lhs_hint = false} : vector<32x4096xf32>, vector<32x32xf32>, vector<4096x32xf32> -> vector<4096x32xf32>
    %swap3A_17 = arith.constant 0 : index
    %swap3A_18 = arith.constant 64 : index
    %swap3A_19 = vector.load %arg3[%swap3A_17, %swap3A_18] : memref<4096x128xf32, #tpu.memory_space<vmem>>, vector<4096x32xf32>
    tpu.vector_store %arg3[%swap3A_17, %swap3A_18], %dot_general3A_16 {strides = array<i32>} : memref<4096x128xf32, #tpu.memory_space<vmem>>, vector<4096x32xf32>,
    %slice3A_20 = vector.extract_strided_slice %get3A_1 {offsets = [0, 12288], sizes = [32, 4096], strides = [1, 1]} : vector<32x16384xf32> to vector<32x4096xf32>
    %dot_general3A_21 = arith.constant dense<0.000000e+00> : vector<4096x32xf32>
    %dot_general3A_22 = tpu.matmul %slice3A_20, %get3A_4, %dot_general3A_21 {dimension_numbers = #tpu.dot_dimension_numbers<[0], [0], [1], [1], [0, 1, 1, 1], [], []>, transpose_lhs_hint = false} : vector<32x4096xf32>, vector<32x32xf32>, vector<4096x32xf32> -> vector<4096x32xf32>
    %swap3A_23 = arith.constant 0 : index
    %swap3A_24 = arith.constant 96 : index
    %swap3A_25 = vector.load %arg3[%swap3A_23, %swap3A_24] : memref<4096x128xf32, #tpu.memory_space<vmem>>, vector<4096x32xf32>
    tpu.vector_store %arg3[%swap3A_23, %swap3A_24], %dot_general3A_22 {strides = array<i32>} : memref<4096x128xf32, #tpu.memory_space<vmem>>, vector<4096x32xf32>,
    return
  }
  func.func @transform_0(%arg0: i32) -> (i32, i32) {
    %c0_i32 = arith.constant 0 : i32
    %c0_i32_0 = arith.constant 0 : i32
    return %c0_i32, %arg0 : i32, i32
  }
  func.func @transform_1(%arg0: i32) -> (i32, i32) {
    %c0_i32 = arith.constant 0 : i32
    %c0_i32_0 = arith.constant 0 : i32
    %c0_i32_1 = arith.constant 0 : i32
    return %c0_i32, %c0_i32_0 : i32, i32
  }
  func.func @transform_2(%arg0: i32) -> (i32, i32) {
    %c0_i32 = arith.constant 0 : i32
    %c0_i32_0 = arith.constant 0 : i32
    return %arg0, %c0_i32 : i32, i32
  }
}

module attributes {stable_mosaic.version = 14 : i64} {
  func.func @_mm_body(%arg0: i32, %arg1: memref<512x128xf32, #tpu.memory_space<vmem>>, %arg2: memref<32x128xf32, #tpu.memory_space<vmem>>, %arg3: memref<1x128xf32, #tpu.memory_space<vmem>>, %arg4: memref<2048x128xf32, #tpu.memory_space<vmem>>) attributes {dimension_semantics = [#tpu.dimension_semantics<arbitrary>], iteration_bounds = array<i64: 208>, scalar_prefetch = 0 : i64, scratch_operands = 0 : i64, tpu.core_type = #tpu.core_type<tc>, window_params = [{transform_indices = @transform_0, window_bounds = array<i64: 512, 128>}, {pipeline_mode = #tpu.pipeline_mode<synchronous>, transform_indices = @transform_1, window_bounds = array<i64: 32, 128>}, {pipeline_mode = #tpu.pipeline_mode<synchronous>, transform_indices = @transform_2, window_bounds = array<i64: 1, 128>}, {transform_indices = @transform_3, window_bounds = array<i64: 2048, 128>}]} {
    %get3A = arith.constant 0 : index
    %get3A_0 = arith.constant 0 : index
    %get3A_1 = vector.load %arg1[%get3A, %get3A_0] : memref<512x128xf32, #tpu.memory_space<vmem>>, vector<512x128xf32>
    %get3A_2 = arith.constant 0 : index
    %get3A_3 = arith.constant 0 : index
    %get3A_4 = vector.load %arg2[%get3A_2, %get3A_3] : memref<32x128xf32, #tpu.memory_space<vmem>>, vector<32x128xf32>
    %get3A_5 = arith.constant 0 : index
    %get3A_6 = arith.constant 0 : index
    %get3A_7 = vector.load %arg3[%get3A_5, %get3A_6] : memref<1x128xf32, #tpu.memory_space<vmem>>, vector<1x128xf32>
    %slice3A = vector.extract_strided_slice %get3A_1 {offsets = [0, 0], sizes = [512, 32], strides = [1, 1]} : vector<512x128xf32> to vector<512x32xf32>
    %dot_general3A = arith.constant dense<0.000000e+00> : vector<512x128xf32>
    %dot_general3A_8 = tpu.matmul %slice3A, %get3A_4, %dot_general3A {dimension_numbers = #tpu.dot_dimension_numbers<[1], [0], [0], [1], [0, 0, 1, 1], [], []>, transpose_lhs_hint = false} : vector<512x32xf32>, vector<32x128xf32>, vector<512x128xf32> -> vector<512x128xf32>
    %add3A = vector.broadcast %get3A_7 : vector<1x128xf32> to vector<512x128xf32>
    %add3A_9 = arith.addf %dot_general3A_8, %add3A : vector<512x128xf32>
    %swap3A = arith.constant 0 : index
    %swap3A_10 = arith.constant 0 : index
    %swap3A_11 = vector.load %arg4[%swap3A, %swap3A_10] : memref<2048x128xf32, #tpu.memory_space<vmem>>, vector<512x128xf32>
    tpu.vector_store %arg4[%swap3A, %swap3A_10], %add3A_9 {strides = array<i32>} : memref<2048x128xf32, #tpu.memory_space<vmem>>, vector<512x128xf32>,
    %slice3A_12 = vector.extract_strided_slice %get3A_1 {offsets = [0, 32], sizes = [512, 32], strides = [1, 1]} : vector<512x128xf32> to vector<512x32xf32>
    %dot_general3A_13 = arith.constant dense<0.000000e+00> : vector<512x128xf32>
    %dot_general3A_14 = tpu.matmul %slice3A_12, %get3A_4, %dot_general3A_13 {dimension_numbers = #tpu.dot_dimension_numbers<[1], [0], [0], [1], [0, 0, 1, 1], [], []>, transpose_lhs_hint = false} : vector<512x32xf32>, vector<32x128xf32>, vector<512x128xf32> -> vector<512x128xf32>
    %add3A_15 = vector.broadcast %get3A_7 : vector<1x128xf32> to vector<512x128xf32>
    %add3A_16 = arith.addf %dot_general3A_14, %add3A_15 : vector<512x128xf32>
    %swap3A_17 = arith.constant 512 : index
    %swap3A_18 = arith.constant 0 : index
    %swap3A_19 = vector.load %arg4[%swap3A_17, %swap3A_18] : memref<2048x128xf32, #tpu.memory_space<vmem>>, vector<512x128xf32>
    tpu.vector_store %arg4[%swap3A_17, %swap3A_18], %add3A_16 {strides = array<i32>} : memref<2048x128xf32, #tpu.memory_space<vmem>>, vector<512x128xf32>,
    %slice3A_20 = vector.extract_strided_slice %get3A_1 {offsets = [0, 64], sizes = [512, 32], strides = [1, 1]} : vector<512x128xf32> to vector<512x32xf32>
    %dot_general3A_21 = arith.constant dense<0.000000e+00> : vector<512x128xf32>
    %dot_general3A_22 = tpu.matmul %slice3A_20, %get3A_4, %dot_general3A_21 {dimension_numbers = #tpu.dot_dimension_numbers<[1], [0], [0], [1], [0, 0, 1, 1], [], []>, transpose_lhs_hint = false} : vector<512x32xf32>, vector<32x128xf32>, vector<512x128xf32> -> vector<512x128xf32>
    %add3A_23 = vector.broadcast %get3A_7 : vector<1x128xf32> to vector<512x128xf32>
    %add3A_24 = arith.addf %dot_general3A_22, %add3A_23 : vector<512x128xf32>
    %swap3A_25 = arith.constant 1024 : index
    %swap3A_26 = arith.constant 0 : index
    %swap3A_27 = vector.load %arg4[%swap3A_25, %swap3A_26] : memref<2048x128xf32, #tpu.memory_space<vmem>>, vector<512x128xf32>
    tpu.vector_store %arg4[%swap3A_25, %swap3A_26], %add3A_24 {strides = array<i32>} : memref<2048x128xf32, #tpu.memory_space<vmem>>, vector<512x128xf32>,
    %slice3A_28 = vector.extract_strided_slice %get3A_1 {offsets = [0, 96], sizes = [512, 32], strides = [1, 1]} : vector<512x128xf32> to vector<512x32xf32>
    %dot_general3A_29 = arith.constant dense<0.000000e+00> : vector<512x128xf32>
    %dot_general3A_30 = tpu.matmul %slice3A_28, %get3A_4, %dot_general3A_29 {dimension_numbers = #tpu.dot_dimension_numbers<[1], [0], [0], [1], [0, 0, 1, 1], [], []>, transpose_lhs_hint = false} : vector<512x32xf32>, vector<32x128xf32>, vector<512x128xf32> -> vector<512x128xf32>
    %add3A_31 = vector.broadcast %get3A_7 : vector<1x128xf32> to vector<512x128xf32>
    %add3A_32 = arith.addf %dot_general3A_30, %add3A_31 : vector<512x128xf32>
    %swap3A_33 = arith.constant 1536 : index
    %swap3A_34 = arith.constant 0 : index
    %swap3A_35 = vector.load %arg4[%swap3A_33, %swap3A_34] : memref<2048x128xf32, #tpu.memory_space<vmem>>, vector<512x128xf32>
    tpu.vector_store %arg4[%swap3A_33, %swap3A_34], %add3A_32 {strides = array<i32>} : memref<2048x128xf32, #tpu.memory_space<vmem>>, vector<512x128xf32>,
    return
  }
  func.func @transform_0(%arg0: i32) -> (i32, i32) {
    %c0_i32 = arith.constant 0 : i32
    %c0_i32_0 = arith.constant 0 : i32
    return %arg0, %c0_i32 : i32, i32
  }
  func.func @transform_1(%arg0: i32) -> (i32, i32) {
    %c0_i32 = arith.constant 0 : i32
    %c0_i32_0 = arith.constant 0 : i32
    %c0_i32_1 = arith.constant 0 : i32
    return %c0_i32, %c0_i32_0 : i32, i32
  }
  func.func @transform_2(%arg0: i32) -> (i32, i32) {
    %c0_i32 = arith.constant 0 : i32
    %c0_i32_0 = arith.constant 0 : i32
    %c0_i32_1 = arith.constant 0 : i32
    return %c0_i32, %c0_i32_0 : i32, i32
  }
  func.func @transform_3(%arg0: i32) -> (i32, i32) {
    %c0_i32 = arith.constant 0 : i32
    %c0_i32_0 = arith.constant 0 : i32
    return %arg0, %c0_i32 : i32, i32
  }
}

</mosaic_0001>

<sc_bundles>
// kernel: kernel.5.cloned.1.call-start
scs
__scs_entry_jumppad:
0x0: {  	(pc) =	sbr.rel $0x88, $3  }
0x1: {  	(tag) =	ssettag $0x0;
	lr =	simm.s32 $0x1  }
0x2: {  	[smem:$0x3F9D] =	sst lr;
	_ =	strace $0xD0000000  }
0x3: {  	_ = 	snop  }
0x4: {  	_ = 	snop  }
0x5: {  	_ = 	snop  }
0x6: {  	_ = 	snop  }
0x7: {  	_ = 	snop  }
__scs_overlays_trampoline_lowered:
0x8: {  	[smem:$0x3FAC] =	sst s0  }
0x9: {  	[smem:$0x3FAD] =	sst s1  }
0xa: {  	[smem:$0x3FAE] =	sst s2  }
0xb: {  	[smem:$0x3FAF] =	sst s3  }
0xc: {  	[smem:$0x3FB0] =	sst s4  }
0xd: {  	[smem:$0x3FB1] =	sst s5  }
0xe: {  	[smem:$0x3FB2] =	sst s6  }
0xf: {  	[smem:$0x3FB3] =	sst s7  }
0x10: {  	[smem:$0x3FB4] =	sst s8  }
0x11: {  	[smem:$0x3FB5] =	sst s9;
	s0 =	simm.s32 @!p0 $0x0  }
0x12: {  	s1 =	sld [smem:$0x3F9B];
	s0 =	simm.s32 @p0 $0x1  }
0x13: {  	[smem:$0x3FB6] =	sst s0;
	s0 =	simm.s32 @!p1 $0x0  }
0x14: {  	s2 =	sld [smem:$0x3F9A];
	s0 =	simm.s32 @p1 $0x1  }
0x15: {  	[smem:$0x3FB7] =	sst s0;
	s0 =	simm.s32 @!p2 $0x0  }
0x16: {  	s3 =	sld [smem:$0x3FDB];
	s0 =	simm.s32 @p2 $0x1  }
0x17: {  	s4 =	simm.s32 $0x1BF5;
	[smem:$0x3FB9] =	sst s0  }
0x18: {  	s0 =	sld [smem:$0x3F9C];
	_ =	swait.ge [sflag:s4], $0x0  }
0x19: {  	s7 =	sld [smem:$0x3F9D]  }
0x1a: {  	s8 =	sadd.s32 $0xFFFFE003, lr  }
0x1b: {  	s9 =	sadd.s32 $0xFFFFFEF7, lr;
	s5 =	simm.s32 $0xFFFFFFFF;
	p2 =	slt.u32 s8, $0xFFFFF086  }
0x1c: {  	p1 =	slt.u32 s9, $0xF7A;
	s5 =	simm.s32 @!p2 $0x0  }
0x1d: {  	s5 =	simm.s32 @p1 $0x1;
	p0 =	seq.s32 s7, s2  }
0x1e: {  	s7 =	smul.u32 @!p0 $0xF7A, s2;
	p2 =	seq.s32 @!p0 s5, $0x0  }
0x1f: {  	s9 =	smul.u32 $0xF7A, s1;
	s8 =	simm.s32 @!p0 $0x1BF5;
	p2 =	por !p2, p0  }
0x20: {  	[sflag:s8] =	ssyncset.s32 @!p0 $0xFFFFF086;
	s6 =	sadd.s32 @!p0 s3, s7;
	s7 =	simm.s32 @!p0 $0x108  }
0x21: {  	s3 =	sadd.s32 s3, s9;
	s6 =	sadd.s32 @!p0 $0x88, s6;
	s7 =	simm.s32 @p2 $0x1082  }
0x22: {  	[simem:s7], [sflag:s8] =	dma.local @!p0 [hbm:s6], $0xF7A  }
0x23: {  	s9 =	sor.u32 $0xD0000000, s2;
	s6 =	simm.s32 $0x108;
	_ =	swait.ge @!p0 [sflag:s8], $0x0  }
0x24: {  	s3 =	sadd.s32 $0x88, s3;
	s6 =	simm.s32 @!p1 $0x1082;
	[sflag:s4] =	ssyncset.s32 $0xFFFFF086  }
0x25: {  	[simem:s6], [sflag:s4] =	dma.local [hbm:s3], $0xF7A  }
0x26: {  	[smem:$0x3F9D] =	sst s1;
	(tag) =	ssettag s2;
	_ =	strace s9  }
0x27: {  	s1 =	sld [smem:$0x3FAD]  }
0x28: {  	s2 =	sld [smem:$0x3FAE]  }
0x29: {  	s4 =	sld [smem:$0x3FB0]  }
0x2a: {  	p0 =	seq.s32 s5, $0x0;
	s5 =	sld [smem:$0x3FB1]  }
0x2b: {  	s6 =	sld [smem:$0x3FB2]  }
0x2c: {  	s7 =	sld [smem:$0x3FB3]  }
0x2d: {  	s3 =	simm.s32 $0x108;
	s8 =	sld [smem:$0x3FB4]  }
0x2e: {  	s3 =	simm.s32 @!p0 $0x1082;
	s9 =	sld [smem:$0x3FB5]  }
0x2f: {  	lr =	sadd.s32 s0, s3;
	s0 =	sld [smem:$0x3FAC]  }
0x30: {  	s3 =	sld [smem:$0x3FAF]  }
0x31: {  	[smem:$0x3FB8] =	sst s10  }
0x32: {  	s10 =	sld [smem:$0x3FB6];
	_ =	sdelay $0x3  }
0x33: {  	p0 =	seq.s32 s10, $0x1;
	s10 =	sld [smem:$0x3FB8];
	_ =	sdelay $0x3  }
0x34: {  	[smem:$0x3FB8] =	sst s10  }
0x35: {  	s10 =	sld [smem:$0x3FB7];
	_ =	sdelay $0x3  }
0x36: {  	p1 =	seq.s32 s10, $0x1;
	s10 =	sld [smem:$0x3FB8];
	_ =	sdelay $0x3  }
0x37: {  	[smem:$0x3FB8] =	sst s10  }
0x38: {  	s10 =	sld [smem:$0x3FB9]  }
0x39: {  	_ = 	snop;
	(pc) =	sbr.ind lr, $3  }
0x3a: {  	_ = 	snop  }
0x3b: {  	_ = 	snop  }
0x3c: {  	p2 =	seq.s32 s10, $0x1;
	s10 =	sld [smem:$0x3FB8]  }
0x3d: {  	_ =	shalt  }
0x3e: {  	_ =	shalt  }
0x3f: {  	_ =	shalt  }
0x40: {  	_ =	shalt  }
0x41: {  	_ =	shalt  }
0x42: {  	_ =	shalt  }
0x43: {  	_ =	shalt  }
0x44: {  	_ =	shalt  }
0x45: {  	_ =	shalt  }
0x46: {  	_ =	shalt  }
0x47: {  	_ =	shalt  }
0x48: {  	_ =	shalt  }
0x49: {  	_ =	shalt  }
0x4a: {  	_ =	shalt  }
0x4b: {  	_ =	shalt  }
0x4c: {  	_ =	shalt  }
0x4d: {  	_ =	shalt  }
0x4e: {  	_ =	shalt  }
0x4f: {  	_ =	shalt  }
0x50: {  	_ =	shalt  }
0x51: {  	_ =	shalt  }
0x52: {  	_ =	shalt  }
0x53: {  	_ =	shalt  }
0x54: {  	_ =	shalt  }
0x55: {  	_ =	shalt  }
0x56: {  	_ =	shalt  }
0x57: {  	_ =	shalt  }
0x58: {  	_ =	shalt  }
0x59: {  	_ =	shalt  }
0x5a: {  	_ =	shalt  }
0x5b: {  	_ =	shalt  }
0x5c: {  	_ =	shalt  }
0x5d: {  	_ =	shalt  }
0x5e: {  	_ =	shalt  }
0x5f: {  	_ =	shalt  }
0x60: {  	_ =	shalt  }
0x61: {  	_ =	shalt  }
0x62: {  	_ =	shalt  }
0x63: {  	_ =	shalt  }
0x64: {  	_ =	shalt  }
0x65: {  	_ =	shalt  }
0x66: {  	_ =	shalt  }
0x67: {  	_ =	shalt  }
0x68: {  	_ =	shalt  }
0x69: {  	_ =	shalt  }
0x6a: {  	_ =	shalt  }
0x6b: {  	_ =	shalt  }
0x6c: {  	_ =	shalt  }
0x6d: {  	_ =	shalt  }
0x6e: {  	_ =	shalt  }
0x6f: {  	_ =	shalt  }
0x70: {  	_ =	shalt  }
0x71: {  	_ =	shalt  }
0x72: {  	_ =	shalt  }
0x73: {  	_ =	shalt  }
0x74: {  	_ =	shalt  }
0x75: {  	_ =	shalt  }
0x76: {  	_ =	shalt  }
0x77: {  	_ =	shalt  }
0x78: {  	_ =	shalt  }
0x79: {  	_ =	shalt  }
0x7a: {  	_ =	shalt  }
0x7b: {  	_ =	shalt  }
0x7c: {  	_ =	shalt  }
0x7d: {  	_ =	shalt  }
0x7e: {  	_ =	shalt  }
0x7f: {  	_ =	shalt  }
0x80: {  	_ =	shalt  }
0x81: {  	_ =	shalt  }
0x82: {  	_ =	shalt  }
0x83: {  	_ =	shalt  }
0x84: {  	_ =	shalt  }
0x85: {  	_ =	shalt  }
0x86: {  	_ =	shalt  }
0x87: {  	_ =	shalt  }
.Lfunc_end0:
.L_simem_size_0:
called_computation_lowered:
.L_overlay_start_0:
0x88: {  	s2 =	sld [smem:$0x3FD9]  }
0x89: {  	s3 =	sld [smem:$0x3FFE];
	_ =	sdelay $0x1  }
0x8a: {  	s1 =	srdreg.scid  }
0x8b: {  	s0 =	sand.u32 $0x1, s1  }
0x8c: {  	s17 =	sshll.u32 s0, $0xA;
	s2 =	sadd.s32 s3, s2  }
0x8d: {  	s2 =	sadd.s32 s2, s17  }
0x8e: {  	[smem:$0x3FC4] =	sst s2  }
0x8f: {  	_ = 	snop  }
0x90: {  	s2 =	sld [smem:$0x3FD0];
	(tm) =	ssettm $0x1  }
0x91: {  	s18 =	sld [smem:$0x3FFB];
	_ =	sdelay $0x3  }
0x92: {  	_ =	strace s18  }
0x93: {  	s3 =	sld [smem:$0x3FFC];
	_ =	sdelay $0x3  }
0x94: {  	_ =	strace s3  }
0x95: {  	s3 =	sld [smem:$0x3FFD];
	_ =	sdelay $0x3  }
0x96: {  	_ =	strace s3  }
0x97: {  	_ =	strace $0x8FFFFFFF  }
0x98: {  	s19 =	sld [smem:$0x3FDB];
	_ =	sdelay $0x1  }
0x99: {  	s4 =	simm.s32 $_scs_section_size  }
0x9a: {  	s5 =	simm.s32 $_size__tile_overlayer_lowered;
	s6 =	simm.s32 $_tile_overlayer_lowered  }
0x9b: {  	s22 =	simm.s32 $0x1BFF;
	s21 =	sshll.u32 s6, $0x1;
	s3 =	sadd.s32 s4, s19  }
0x9c: {  	s7 =	simm.s32 $0x0;
	s20 =	sshll.u32 s5, $0x1;
	s5 =	sadd.s32 s21, s3  }
0x9d: {  	[timem:s7], [sflag:s22] =	dma.local [hbm:s5], s20  }
0x9e: {  	_ =	swait.ge [sflag:s22], s20  }
0x9f: {  	s4 =	ssub.s32 $0x0, s20;
	[sflag:s22] =	ssyncset.done $0x0  }
0xa0: {  	[sflag:s22] =	ssyncadd.s32 s4;
	_ =	sdelay $0x1  }
0xa1: {  	s23 =	simm.s32 $0x1B8B  }
0xa2: {  	_ =	swait.ge [sflag:s23], $0x1  }
0xa3: {  	[sflag:s23] =	ssyncset.done $0x0  }
0xa4: {  	s25 =	simm.s32 $0x1B8E;
	s24 =	sld [smem:$0x3FFE];
	[sflag:s23] =	ssyncadd.s32 $0xFFFFFFFF  }
0xa5: {  	s26 =	simm.s32 $execute0_lowered;
	[smem:$0x3FD2] =	sst s25  }
0xa6: {  	s5 =	sshll.u32 s26, $0x1;
	_ =	strace $0x80000046;
	[dreg:$0x1] =	wrdreg $0xFFFFFFFF  }
0xa7: {  	s28 =	simm.s32 $_size_execute0_lowered;
	s3 =	sadd.s32 s3, s5;
	[dreg:$0x0] =	wrdreg $0x0  }
0xa8: {  	s5 =	sshll.u32 s28, $0x1;
	[dreg:$0x2] =	wrdreg s3  }
0xa9: {  	[dreg:$0x3] =	wrdreg s5  }
0xaa: {  	[dreg:$0x4] =	wrdreg $0xC0  }
0xab: {  	_ =	task [dreg:s7], $0x5FFFF  }
0xac: {  	[dreg:$0x1] =	wrdreg $0xFFFFFFFF  }
0xad: {  	[dreg:$0x0] =	wrdreg $0x60  }
0xae: {  	[dreg:$0x2] =	wrdreg s24  }
0xaf: {  	[dreg:$0x3] =	wrdreg s2  }
0xb0: {  	[dreg:$0x4] =	wrdreg $0x9  }
0xb1: {  	_ =	task.clear_ibuf [dreg:s7], $0x5FFFF;
	_ =	strace $0x90000046  }
0xb2: {  	s29 =	simm.s32 $0x9;
	_ =	strace $0x80000048  }
0xb3: {  	_ =	swait.ge [sflag:s29], $0x1  }
0xb4: {  	[sflag:s29] =	ssyncadd.s32 $0xFFFFFFFF  }
0xb5: {  	_ =	strace $0x90000048  }
0xb6: {  	_ =	sfence  }
0xb7: {  	s30 =	sld [smem:$0x0];
	_ =	sdelay $0x2  }
0xb8: {  	s31 =	sshll.u32 s1, $0xD;
	s1 =	sshrl.u32 s1, $0x2  }
0xb9: {  	s3 =	sand.u32 $0x4000, s31;
	s1 =	sadd.s32 s1, s30  }
0xba: {  	s0 =	sor.u32 s3, s0;
	s1 =	sshll.u32 s1, $0x11  }
0xbb: {  	s0 =	sor.u32 s1, s0  }
0xbc: {  	s0 =	sadd.s32 $0x8F2B, s0  }
0xbd: {  	[sflag:s0] =	ssyncadd.remote.s32 $0x1  }
0xbe: {  	_ =	sfence.sel $0xFFFF  }
0xbf: {  	[dreg:$0x0] =	wrdreg $0xFFFFFFFF;
	(pc) =	sbr.abs _section_cstart, $3  }
0xc0: {  	[dreg:$0x1] =	wrdreg $0xFFFFFFFF  }
0xc1: {  	_ =	task.clear_ibuf [dreg:s7], $0x2FFFF;
	_ =	strace $0x9FFFFFFF  }
0xc2: {  	(tm) =	ssettm $0x7FFFFFFF  }
0xc3: {  	_ =	shalt  }
tec
execute0_lowered:
.L_overlay_start_1:
0x0: {  	(tag) =	ssettag $0x1  }
0x1: {  	s0 =	srdreg.scid;
	s4 =	rddreg [dreg:$0x0]  }
0x2: {  	s2 =	rddreg [dreg:$0x1];
	s1 =	stileid.u32  }
0x3: {  	s3 =	simm.s32 $0x0;
	s12 =	simm.s32 $0x3400;
	s13 =	simm.s32 $0x4400  }
0x4: {  	s14 =	simm.s32 $0x1;
	s15 =	simm.s32 $0x2;
	s16 =	simm.s32 $0x3380  }
0x5: {  	s17 =	simm.s32 $0x0;
	s5 =	sand.u32 $0x1, s0;
	s0 =	rddreg [dreg:$0x2]  }
0x6: {  	[smem:$0x7FF] =	sst s3;
	s11 =	smul.u32 $0x68000, s1;
	s6 =	sshll.u32 s5, $0x4  }
0x7: {  	s8 =	ssub.s32 $0x2, s5;
	s9 =	smul.u32 $0x680000, s5;
	s6 =	sor.u32 s1, s6  }
0x8: {  	s10 =	sadd.s32 $0xD800, s4;
	s26 =	sshrl.u32 s8, $0x1;
	s7 =	smul.u32 $0x680, s6  }
0x9: {  	s6 =	smul.u32 $0x68000, s6;
	s28 =	ssub.s32 s8, s26;
	s30 =	sadd.s32 s11, s9  }
0xa: {  	_ =	strace $0x80000047;
	s5 =	smax.u32 s28, $0x1;
	s9 =	sshrl.u32 s30, $0x3  }
0xb: {  	s11 =	sor.u32 $0x1000, s30;
	s7 =	sadd.s32 s7, s4;
	s6 =	sshrl.u32 s6, $0x3  }
0xc: {  	s8 =	sadd.s32 s9, s10;
	s31 =	sshrl.u32 s11, $0x3;
	s11 =	simm.s32 $0x80  }
0xd: {  	s4 =	sadd.s32 $0x800, s7;
	s29 =	sadd.s32 s10, s6;
	s9 =	sadd.s32 s31, s10  }
0xe: {  	s10 =	simm.s32 $0x3;
	s6 =	sadd.s32 $0xCC00, s29;
	s7 =	sadd.s32 $0xCE00, s29  }
.LBB2_1:
0xf: {  	[tilespmem:s3], [sflag:$0x3] =	stream.linear.gather [hbm4b:s4+s3], $0x3400, $0x38;
	[tilespmem:$0x5400] =	vst v63  }
0x10: {  	_ =	swait.ge [sflag:s10], $0x3400  }
0x11: {  	[sflag:s10] =	ssyncset.done $0x0  }
0x12: {  	[sflag:s10] =	ssyncadd.s32 $0xFFFFCC00  }
0x13: {  	[tilespmem:s12], [sflag:$0x1] =	stream.indirect.gather [hbm4b:s2+s11], $0x20, s3, s11, $0xb8;
	[tilespmem:$0x5400] =	vst v63  }
0x14: {  	s18 =	simm.s32 $0x80  }
0x15: {  	[tilespmem:s13], [sflag:$0x2] =	stream.indirect.gather [hbm4b:s2+s11], $0x20, s18, s11, $0xb8;
	[tilespmem:$0x5400] =	vst v63  }
0x16: {  	_ =	swait.ge [sflag:s14], $0x1000  }
0x17: {  	[sflag:s14] =	ssyncset.done $0x0  }
0x18: {  	s29 =	sadd.s32 $0x0, s8;
	[sflag:s14] =	ssyncadd.s32 $0xFFFFF000  }
0x19: {  	[hbm4b:s29+s3] =	stream.linear.scatter [tilespmem:s12], [sflag:$0x3], $0x1000, $0x38;
	[tilespmem:$0x5400] =	vst v63  }
0x1a: {  	_ =	swait.ge [sflag:s10], $0x1000  }
0x1b: {  	[sflag:s10] =	ssyncset.done $0x0  }
0x1c: {  	s30 =	simm.s32 $0x100;
	[sflag:s10] =	ssyncadd.s32 $0xFFFFF000  }
0x1d: {  	[tilespmem:s12], [sflag:$0x1] =	stream.indirect.gather [hbm4b:s2+s11], $0x20, s30, s11, $0xb8;
	[tilespmem:$0x5400] =	vst v63  }
0x1e: {  	_ =	swait.ge [sflag:s15], $0x1000  }
0x1f: {  	[sflag:s15] =	ssyncset.done $0x0  }
0x20: {  	s31 =	sadd.s32 $0x0, s9;
	[sflag:s15] =	ssyncadd.s32 $0xFFFFF000  }
0x21: {  	[hbm4b:s31+s3] =	stream.linear.scatter [tilespmem:s13], [sflag:$0x3], $0x1000, $0x38;
	[tilespmem:$0x5400] =	vst v63  }
0x22: {  	s20 =	simm.s32 $0x800;
	_ =	swait.ge [sflag:s10], $0x1000  }
0x23: {  	s19 =	simm.s32 $0x100;
	s18 =	simm.s32 $0x400;
	[sflag:s10] =	ssyncset.done $0x0  }
.LBB2_2:
0x24: {  	s21 =	sadd.s32 $0x80, s19  }
0x25: {  	[sflag:s10] =	ssyncadd.s32 $0xFFFFF000;
	s22 =	smov.u32 s20;
	s23 =	sadd.s32 $0x400, s20  }
0x26: {  	[tilespmem:s13], [sflag:$0x2] =	stream.indirect.gather [hbm4b:s2+s11], $0x20, s21, s11, $0xb8;
	[tilespmem:$0x5400] =	vst v63  }
0x27: {  	p0 =	sne.s32 s20, $0xC800;
	_ =	swait.ge [sflag:s14], $0x1000  }
0x28: {  	[sflag:s14] =	ssyncset.done $0x0  }
0x29: {  	s20 =	sadd.s32 s18, s8;
	[sflag:s14] =	ssyncadd.s32 $0xFFFFF000  }
0x2a: {  	[hbm4b:s20+s3] =	stream.linear.scatter [tilespmem:s12], [sflag:$0x3], $0x1000, $0x38;
	[tilespmem:$0x5400] =	vst v63  }
0x2b: {  	_ =	swait.ge [sflag:s10], $0x1000  }
0x2c: {  	[sflag:s10] =	ssyncset.done $0x0  }
0x2d: {  	s19 =	sadd.s32 $0x100, s19;
	[sflag:s10] =	ssyncadd.s32 $0xFFFFF000  }
0x2e: {  	[tilespmem:s12], [sflag:$0x1] =	stream.indirect.gather [hbm4b:s2+s11], $0x20, s19, s11, $0xb8;
	[tilespmem:$0x5400] =	vst v63  }
0x2f: {  	_ =	swait.ge [sflag:s15], $0x1000  }
.Ltmp0:
0x30: {  	[sflag:s15] =	ssyncset.done $0x0;
	(pc) =	sbr.rel @p0 .LBB2_2-.Ltmp0, $4  }
0x31: {  	s19 =	sadd.s32 s18, s9;
	s18 =	smov.u32 s22;
	[sflag:s15] =	ssyncadd.s32 $0xFFFFF000  }
0x32: {  	[hbm4b:s19+s3] =	stream.linear.scatter [tilespmem:s13], [sflag:$0x3], $0x1000, $0x38;
	[tilespmem:$0x5400] =	vst v63  }
0x33: {  	_ =	swait.ge [sflag:s10], $0x1000  }
0x34: {  	s20 =	smov.u32 s23;
	s19 =	sshra.s32 s18, $0x2;
	[sflag:s10] =	ssyncset.done $0x0  }
0x35: {  	s20 =	sadd.s32 $0x80, s19;
	[sflag:s10] =	ssyncadd.s32 $0xFFFFF000  }
0x36: {  	[tilespmem:s13], [sflag:$0x2] =	stream.indirect.gather [hbm4b:s2+s11], $0x20, s20, s11, $0xb8;
	[tilespmem:$0x5400] =	vst v63  }
0x37: {  	_ =	swait.ge [sflag:s14], $0x1000  }
0x38: {  	[sflag:s14] =	ssyncset.done $0x0  }
0x39: {  	s29 =	sadd.s32 s18, s8;
	[sflag:s14] =	ssyncadd.s32 $0xFFFFF000  }
0x3a: {  	[hbm4b:s29+s3] =	stream.linear.scatter [tilespmem:s12], [sflag:$0x3], $0x1000, $0x38;
	[tilespmem:$0x5400] =	vst v63  }
0x3b: {  	_ =	swait.ge [sflag:s10], $0x1000  }
0x3c: {  	[sflag:s10] =	ssyncset.done $0x0  }
0x3d: {  	s30 =	sadd.s32 $0x100, s19;
	[sflag:s10] =	ssyncadd.s32 $0xFFFFF000  }
0x3e: {  	[tilespmem:s12], [sflag:$0x1] =	stream.indirect.gather [hbm4b:s2+s11], $0x20, s30, s11, $0xb8;
	[tilespmem:$0x5400] =	vst v63  }
0x3f: {  	_ =	swait.ge [sflag:s15], $0x1000  }
0x40: {  	[sflag:s15] =	ssyncset.done $0x0  }
0x41: {  	s31 =	sadd.s32 s18, s9;
	[sflag:s15] =	ssyncadd.s32 $0xFFFFF000  }
0x42: {  	[hbm4b:s31+s3] =	stream.linear.scatter [tilespmem:s13], [sflag:$0x3], $0x1000, $0x38;
	[tilespmem:$0x5400] =	vst v63  }
0x43: {  	_ =	swait.ge [sflag:s10], $0x1000  }
0x44: {  	[sflag:s10] =	ssyncset.done $0x0  }
0x45: {  	[sflag:s10] =	ssyncadd.s32 $0xFFFFF000  }
0x46: {  	[tilespmem:s13], [sflag:$0x2] =	stream.indirect.gather [hbm4b:s2+s11], $0x20, s16, s11, $0xb8;
	[tilespmem:$0x5400] =	vst v63  }
0x47: {  	_ =	swait.ge [sflag:s14], $0x1000  }
0x48: {  	[sflag:s14] =	ssyncset.done $0x0  }
0x49: {  	[sflag:s14] =	ssyncadd.s32 $0xFFFFF000  }
0x4a: {  	[hbm4b:s6+s3] =	stream.linear.scatter [tilespmem:s12], [sflag:$0x3], $0x1000, $0x38;
	[tilespmem:$0x5400] =	vst v63  }
0x4b: {  	_ =	swait.ge [sflag:s10], $0x1000  }
0x4c: {  	[sflag:s10] =	ssyncset.done $0x0  }
0x4d: {  	[sflag:s10] =	ssyncadd.s32 $0xFFFFF000  }
0x4e: {  	s17 =	sadd.s32 $0x1, s17;
	_ =	swait.ge [sflag:s15], $0x1000  }
0x4f: {  	p0 =	sne.s32 s17, s5;
	[sflag:s15] =	ssyncset.done $0x0  }
.Ltmp1:
0x50: {  	[sflag:s15] =	ssyncadd.s32 $0xFFFFF000;
	(pc) =	sbr.rel @p0 .LBB2_1-.Ltmp1, $4  }
0x51: {  	[hbm4b:s7+s3] =	stream.linear.scatter [tilespmem:s13], [sflag:$0x3], $0x1000, $0x38;
	[tilespmem:$0x5400] =	vst v63  }
0x52: {  	_ =	swait.ge [sflag:s10], $0x1000  }
0x53: {  	[sflag:s10] =	ssyncset.done $0x0  }
0x54: {  	[sflag:s10] =	ssyncadd.s32 $0xFFFFF000  }
0x55: {  	_ =	sfence.sel $0x180000  }
0x56: {  	[bflag:$0x0] =	sbarrier.arrive $0xFFFF  }
0x57: {  	p0 =	sne.s32 s1, $0x0;
	_ =	strace $0x90000047  }
0x58: {  	s0 =	sadd.s32 @!p0 $0x100000, s0;
	[bflag:$0x2] =	sbarrier.arrive $0xFFFF  }
0x59: {  	[sflag:s0] =	ssyncadd.tile.s32 @!p0 $0x1;
	_ =	shalt  }
.Lfunc_end2:
_tile_overlayer_lowered:
.L_overlay_start_2:
0x5a: {  	(tag) =	ssettag $0x2  }
0x5b: {  	s0 =	rddreg [dreg:$0x0];
	s2 =	stileid.u32  }
0x5c: {  	s1 =	rddreg [dreg:$0x1];
	p0 =	sne.s32 s2, $0x0  }
0x5d: {  	s3 =	rddreg [dreg:$0x2];
	[bflag:$0x3] =	sbarrier.arrive $0xFFFF;
	s2 =	simm.s32 @!p0 $0x1C03  }
0x5e: {  	[timem:s3], [sflag:s2] =	dma.local @!p0 [hbm:s0], s1  }
0x5f: {  	s0 =	simm.s32 @!p0 $0x3  }
0x60: {  	_ =	swait.ge @!p0 [sflag:s0], s1  }
0x61: {  	s1 =	ssub.s32 @!p0 $0x0, s1;
	[sflag:s0] =	ssyncset.done @!p0 $0x0  }
0x62: {  	[sflag:s0] =	ssyncadd.s32 @!p0 s1  }
0x63: {  	[bflag:$0x3] =	sbarrier.arrive $0xFFFF  }
0x64: {  	_ =	shalt  }

</sc_bundles>
